<compile_context>
chip_gen: v7x
topology: tpu7x:2x2x1
jax: 0.10.2.dev20260603
libtpu: 0.0.44.dev20260713+nightly
codegen_flags: <defaults>
</compile_context>

<pallas_src>
import jax
import jax.numpy as jnp
from jax import lax
from jax.experimental import pallas as pl
from jax.experimental.pallas import tpu as pltpu
from jax.experimental.pallas import tpu_sc as plsc

N_NODES = 50000
N_EDGES = 800000
E_BLK = 32000
ED_P = 32
N_OR = 360

_NC, _NS = 2, 16
NW = _NC * _NS
NP = 51200
BPW = NP // NW
CH = 400
N_BLK = 2560


def _edge_body(idx_ref, tbl_ref, out_ref):
    idx = idx_ref[0, 0, :]
    tbl = jnp.maximum(tbl_ref[...], 0.0)
    oh = (lax.broadcasted_iota(jnp.int32, (ED_P, E_BLK), 0)
          == idx[None, :]).astype(jnp.float32)
    out_ref[...] = jnp.dot(tbl, oh, preferred_element_type=jnp.float32)


def _sc_gather_body(cat_hbm, wcat_hbm, gcat_hbm,
                    idxc, bufc0, bufc1, sg0, sg1, sw0, sw1):
    wid = lax.axis_index("s") * _NC + lax.axis_index("c")
    base = wid * BPW
    nch = BPW // CH
    bufc = (bufc0, bufc1)
    sg = (sg0, sg1)
    sw = (sw0, sw1)
    pltpu.sync_copy(cat_hbm.at[pl.ds(base, BPW)], idxc)

    def start_gather(k, s):
        return pltpu.async_copy(wcat_hbm.at[idxc.at[pl.ds(k * CH, CH)]],
                                bufc[s], sg[s])

    g = [None, None]
    w = [None, None]
    g[0] = start_gather(0, 0)
    for k in range(nch):
        s = k & 1
        t = 1 - s
        g[s].wait()
        if k + 1 < nch:
            if k >= 1:
                w[t].wait()
            g[t] = start_gather(k + 1, t)
        off = base + k * CH
        w[s] = pltpu.async_copy(bufc[s], gcat_hbm.at[pl.ds(off, CH)], sw[s])
    for s in range(2):
        if w[s] is not None:
            w[s].wait()


def _node_body(gcat_ref, rot_ref, dlt_ref, Wor_ref, Wn1_ref, Wn2_ref,
               Wn3_ref, Wn4_ref, Ws_ref, Wt_ref, bs_ref, bt_ref, bn_ref,
               out_ref):
    nt = (((1,), (1,)), ((), ()))
    A_dim = lax.dot_general(Ws_ref[...], Wn3_ref[...],
                            (((0,), (1,)), ((), ())),
                            preferred_element_type=jnp.float32)
    A_loc = lax.dot_general(Wt_ref[...], Wn4_ref[...],
                            (((0,), (1,)), ((), ())),
                            preferred_element_type=jnp.float32)
    b_eff = (lax.dot_general(bs_ref[...], Wn3_ref[...], nt,
                             preferred_element_type=jnp.float32)
             + lax.dot_general(bt_ref[...], Wn4_ref[...], nt,
                               preferred_element_type=jnp.float32)
             + bn_ref[...])
    A = jnp.concatenate([A_dim, A_loc, b_eff,
                         jnp.zeros((1, 64), jnp.float32)], axis=0)
    T_or = lax.dot_general(Wn2_ref[...], Wor_ref[...], nt,
                           preferred_element_type=jnp.float32)
    rot = rot_ref[0, :]
    oho = (lax.broadcasted_iota(jnp.int32, (N_OR, N_BLK), 0)
           == rot[None, :]).astype(jnp.float32)
    acc = lax.dot_general(Wn1_ref[...], gcat_ref[...], nt,
                          preferred_element_type=jnp.float32)
    acc += jnp.dot(T_or, oho, preferred_element_type=jnp.float32)
    acc += lax.dot_general(A, dlt_ref[...], (((0,), (0,)), ((), ())),
                           preferred_element_type=jnp.float32)
    out_ref[...] = jnp.maximum(acc, 0.0)


def kernel(category, rotation_z, location, dimension, edge_feat,
           W_cat, W_orient, W_size, b_size, W_trans, b_trans,
           W_node, b_node, W_edge):
    f32 = jnp.float32
    eidx = edge_feat.astype(jnp.int32).reshape(N_EDGES // E_BLK, 1, E_BLK)
    WeT_p = jnp.pad(W_edge.T, ((0, 0), (0, ED_P - W_edge.shape[0])))

    cat_p = jnp.pad(category.astype(jnp.int32), (0, NP - N_NODES))
    rot2 = jnp.pad(rotation_z.astype(jnp.int32), (0, NP - N_NODES)).reshape(1, NP)
    dlt = jnp.concatenate(
        [dimension.T.astype(f32), location.T.astype(f32),
         jnp.ones((1, N_NODES), f32), jnp.zeros((1, N_NODES), f32)], axis=0)
    dlt = jnp.pad(dlt, ((0, 0), (0, NP - N_NODES)))
    Wc_p = W_cat
    Wn1 = W_node[:, 0:64]
    Wn2 = W_node[:, 64:96]
    Wn3 = W_node[:, 96:112]
    Wn4 = W_node[:, 112:128]
    bs2 = b_size.reshape(1, 16)
    bt2 = b_trans.reshape(1, 16)
    bn2 = b_node.reshape(1, 64)

    m_edge_t = pl.pallas_call(
        _edge_body,
        grid=(N_EDGES // E_BLK,),
        in_specs=[
            pl.BlockSpec((1, 1, E_BLK), lambda i: (i, 0, 0)),
            pl.BlockSpec((64, ED_P), lambda i: (0, 0)),
        ],
        out_specs=pl.BlockSpec((64, E_BLK), lambda i: (0, i)),
        out_shape=jax.ShapeDtypeStruct((64, N_EDGES), f32),
    )(eidx, WeT_p)

    sc_gather = pl.kernel(
        _sc_gather_body,
        out_type=jax.ShapeDtypeStruct((NP, 64), f32),
        mesh=plsc.VectorSubcoreMesh(core_axis_name="c", subcore_axis_name="s"),
        scratch_types=(
            [pltpu.VMEM((BPW,), jnp.int32)]
            + [pltpu.VMEM((CH, 64), f32)] * 2
            + [pltpu.SemaphoreType.DMA] * 4
        ),
        compiler_params=pltpu.CompilerParams(use_tc_tiling_on_sc=False),
    )
    gcat = sc_gather(cat_p, Wc_p)

    full = lambda shape: pl.BlockSpec(shape, lambda i: tuple(0 for _ in shape))
    m_node_t = pl.pallas_call(
        _node_body,
        grid=(NP // N_BLK,),
        in_specs=[
            pl.BlockSpec((N_BLK, 64), lambda i: (i, 0)),
            pl.BlockSpec((1, N_BLK), lambda i: (0, i)),
            pl.BlockSpec((8, N_BLK), lambda i: (0, i)),
            full((N_OR, 32)),
            full((64, 64)), full((64, 32)), full((64, 16)), full((64, 16)),
            full((16, 3)), full((16, 3)),
            full((1, 16)), full((1, 16)), full((1, 64)),
        ],
        out_specs=pl.BlockSpec((64, N_BLK), lambda i: (0, i)),
        out_shape=jax.ShapeDtypeStruct((64, NP), f32),
    )(gcat, rot2, dlt, W_orient, Wn1, Wn2, Wn3, Wn4,
      W_size, W_trans, bs2, bt2, bn2)

    return (m_node_t[:, :N_NODES].T, m_edge_t.T)

# --- scband reference (transcript-rebuilt; emitter-appended) ---
"""Pipeline reference for scband-encoder-36979668418613 (READ-ONLY COPY).

The authoritative reference and input builder live on the scoring server;
editing this copy changes nothing except your own understanding.
"""

import jax, jax.numpy as jnp
import numpy as np

N_NODES = 50000
N_EDGES = 800000
N_OBJECTS = 1000
N_ORIENT = 360
N_REL = 16
D_OBJ = 64
D_ROT = 32
D_SIZE = 16
D_TRANS = 16
D_CAT = D_OBJ + D_ROT + D_SIZE + D_TRANS  # 128
D_HID = 64


def setup_inputs(seed: int = 0) -> dict:
    key = jax.random.key(seed)
    ks = jax.random.split(key, 16)
    category = jax.random.randint(ks[0], (N_NODES,), 0, N_OBJECTS)
    rotation_z = jax.random.randint(ks[1], (N_NODES,), 0, N_ORIENT)
    location = jax.random.normal(ks[2], (N_NODES, 3), dtype=jnp.float32)
    dimension = jax.random.uniform(ks[3], (N_NODES, 3), dtype=jnp.float32)
    edge_feat = jax.random.randint(ks[4], (N_EDGES,), 0, N_REL + 1)
    # learned parameters
    W_cat = jax.random.normal(ks[5], (N_OBJECTS, D_OBJ), dtype=jnp.float32) * 0.02
    W_orient = jax.random.normal(ks[6], (N_ORIENT, D_ROT), dtype=jnp.float32) * 0.02
    W_size = jax.random.normal(ks[7], (D_SIZE, 3), dtype=jnp.float32) * 0.1
    b_size = jnp.zeros((D_SIZE,), dtype=jnp.float32)
    W_trans = jax.random.normal(ks[8], (D_TRANS, 3), dtype=jnp.float32) * 0.1
    b_trans = jnp.zeros((D_TRANS,), dtype=jnp.float32)
    W_node = jax.random.normal(ks[9], (D_HID, D_CAT), dtype=jnp.float32) * 0.05
    b_node = jnp.zeros((D_HID,), dtype=jnp.float32)
    W_edge = jax.random.normal(ks[10], (N_REL + 1, D_HID), dtype=jnp.float32) * 0.02
    return {
        'category': category, 'rotation_z': rotation_z,
        'location': location, 'dimension': dimension, 'edge_feat': edge_feat,
        'W_cat': W_cat, 'W_orient': W_orient,
        'W_size': W_size, 'b_size': b_size,
        'W_trans': W_trans, 'b_trans': b_trans,
        'W_node': W_node, 'b_node': b_node, 'W_edge': W_edge,
    }


def reference(category, rotation_z, location, dimension, edge_feat,
              W_cat, W_orient, W_size, b_size, W_trans, b_trans,
              W_node, b_node, W_edge):
    # nn_translation_(location): Linear(3 -> enc_dim_transln)
    m_location = location @ W_trans.T + b_trans
    # nn_category(category): Embedding gather
    m_category = jnp.take(W_cat, category, axis=0)
    # nn_orientation(rotation_z): Embedding gather
    m_rotation_z = jnp.take(W_orient, rotation_z, axis=0)
    # nn_size(dimension): Linear(3 -> enc_dim_size)
    m_dimension = dimension @ W_size.T + b_size
    # simple_relu(nn_edges(edata['feat'])): Embedding gather + relu
    m_edge = jnp.maximum(jnp.take(W_edge, edge_feat, axis=0), 0.0)
    # concat node features, then nn_node Linear + relu
    m_node = jnp.concatenate([m_category, m_rotation_z, m_dimension, m_location], axis=-1)
    m_node = jnp.maximum(m_node @ W_node.T + b_node, 0.0)
    return (m_node, m_edge)

if __name__ == "__main__":
    import jax
    _d = setup_inputs()
    print(jax.jit(kernel)(*tuple(_d.values())))

</pallas_src>

<mosaic_0001>
#map = affine_map<(d0, d1) -> (0)>
#map1 = affine_map<(d0, d1) -> (0, 0)>
module attributes {stable_mosaic.version = 14 : i64} {
  func.func @_sc_gather_body(%arg0: i32, %arg1: i32, %arg2: memref<51200xi32, #tpu.memory_space<hbm>>, %arg3: memref<1000x64xf32, #tpu.memory_space<hbm>>, %arg4: memref<51200x64xf32, #tpu.memory_space<hbm>>, %arg5: memref<1600xi32, #tpu.memory_space<vmem>>, %arg6: memref<400x64xf32, #tpu.memory_space<vmem>>, %arg7: memref<400x64xf32, #tpu.memory_space<vmem>>, %arg8: memref<!tpu.dma_semaphore, #tpu.memory_space<semaphore_mem>>, %arg9: memref<!tpu.dma_semaphore, #tpu.memory_space<semaphore_mem>>, %arg10: memref<!tpu.dma_semaphore, #tpu.memory_space<semaphore_mem>>, %arg11: memref<!tpu.dma_semaphore, #tpu.memory_space<semaphore_mem>>) attributes {dimension_semantics = [#tpu.dimension_semantics<core_parallel>, #tpu.dimension_semantics<subcore_parallel>], iteration_bounds = array<i64: 2, 16>, scalar_prefetch = 0 : i64, scratch_operands = 7 : i64, tpu.core_type = #tpu.core_type<sc_vector_subcore>, window_params = [{transform_indices = #map}, {transform_indices = #map1}, {transform_indices = #map1}]} {
    %mul3A = arith.constant 2 : i32
    %mul3A_0 = arith.muli %arg1, %mul3A : i32
    %add3A = arith.addi %mul3A_0, %arg0 : i32
    %mul3A_1 = arith.constant 1600 : i32
    %mul3A_2 = arith.muli %add3A, %mul3A_1 : i32
    "tpu.region"() ({
      %run_scoped3A = tpu.sem_alloc : memref<!tpu.dma_semaphore, #tpu.memory_space<semaphore_mem>>
      %dma_start3A_81 = tpu.memref_slice %arg2[%mul3A_2] : memref<51200xi32, #tpu.memory_space<hbm>> -> memref<1600xi32, #tpu.memory_space<hbm>>
      %dma_start3A_82 = tpu.memref_slice %arg2[%mul3A_2] : memref<51200xi32, #tpu.memory_space<hbm>> -> memref<1600xi32, #tpu.memory_space<hbm>>
      tpu.enqueue_dma source(%dma_start3A_82 : memref<1600xi32, #tpu.memory_space<hbm>>) target(%arg5 : memref<1600xi32, #tpu.memory_space<vmem>>) target_semaphore(%run_scoped3A : memref<!tpu.dma_semaphore, #tpu.memory_space<semaphore_mem>>)
      %dma_wait3A_83 = tpu.memref_slice %arg2[%mul3A_2] : memref<51200xi32, #tpu.memory_space<hbm>> -> memref<1600xi32, #tpu.memory_space<hbm>>
      %dma_wait3A_84 = tpu.memref_slice %arg2[%mul3A_2] : memref<51200xi32, #tpu.memory_space<hbm>> -> memref<1600xi32, #tpu.memory_space<hbm>>
      tpu.wait_dma2 semaphore(%run_scoped3A : memref<!tpu.dma_semaphore, #tpu.memory_space<semaphore_mem>>) src(%dma_wait3A_84 : memref<1600xi32, #tpu.memory_space<hbm>>) dst(%arg5 : memref<1600xi32, #tpu.memory_space<vmem>>)
      tpu.yield
    }) : () -> ()
    %dma_start3A = arith.constant 0 : i32
    %dma_start3A_3 = tpu.memref_slice %arg5[%dma_start3A] : memref<1600xi32, #tpu.memory_space<vmem>> -> memref<400xi32, #tpu.memory_space<vmem>>
    %dma_start3A_4 = arith.constant 0 : i32
    %dma_start3A_5 = arith.constant 0 : i32
    %dma_start3A_6 = tpu.memref_slice %arg3[%dma_start3A_4, %dma_start3A_5] : memref<1000x64xf32, #tpu.memory_space<hbm>> -> memref<1000x64xf32, #tpu.memory_space<hbm>>
    tpu.enqueue_indirect_dma source(%dma_start3A_6 : memref<1000x64xf32, #tpu.memory_space<hbm>>) target(%arg6 : memref<400x64xf32, #tpu.memory_space<vmem>>) offsets(%dma_start3A_3 : memref<400xi32, #tpu.memory_space<vmem>>) semaphore(%arg8 : memref<!tpu.dma_semaphore, #tpu.memory_space<semaphore_mem>>)
    %dma_wait3A = arith.constant 0 : i32
    %dma_wait3A_7 = tpu.memref_slice %arg5[%dma_wait3A] : memref<1600xi32, #tpu.memory_space<vmem>> -> memref<400xi32, #tpu.memory_space<vmem>>
    %dma_wait3A_8 = arith.constant 0 : i32
    %dma_wait3A_9 = arith.constant 0 : i32
    %dma_wait3A_10 = tpu.memref_slice %arg3[%dma_wait3A_8, %dma_wait3A_9] : memref<1000x64xf32, #tpu.memory_space<hbm>> -> memref<1000x64xf32, #tpu.memory_space<hbm>>
    tpu.wait_indirect_dma semaphore(%arg8 : memref<!tpu.dma_semaphore, #tpu.memory_space<semaphore_mem>>) src(%dma_wait3A_10 : memref<1000x64xf32, #tpu.memory_space<hbm>>) dst(%arg6 : memref<400x64xf32, #tpu.memory_space<vmem>>)
    %dma_start3A_11 = arith.constant 400 : i32
    %dma_start3A_12 = tpu.memref_slice %arg5[%dma_start3A_11] : memref<1600xi32, #tpu.memory_space<vmem>> -> memref<400xi32, #tpu.memory_space<vmem>>
    %dma_start3A_13 = arith.constant 0 : i32
    %dma_start3A_14 = arith.constant 0 : i32
    %dma_start3A_15 = tpu.memref_slice %arg3[%dma_start3A_13, %dma_start3A_14] : memref<1000x64xf32, #tpu.memory_space<hbm>> -> memref<1000x64xf32, #tpu.memory_space<hbm>>
    tpu.enqueue_indirect_dma source(%dma_start3A_15 : memref<1000x64xf32, #tpu.memory_space<hbm>>) target(%arg7 : memref<400x64xf32, #tpu.memory_space<vmem>>) offsets(%dma_start3A_12 : memref<400xi32, #tpu.memory_space<vmem>>) semaphore(%arg9 : memref<!tpu.dma_semaphore, #tpu.memory_space<semaphore_mem>>)
    %add3A_16 = arith.constant 0 : i32
    %add3A_17 = arith.addi %mul3A_2, %add3A_16 : i32
    %dma_start3A_18 = arith.constant 0 : i32
    %dma_start3A_19 = tpu.memref_slice %arg4[%add3A_17, %dma_start3A_18] : memref<51200x64xf32, #tpu.memory_space<hbm>> -> memref<400x64xf32, #tpu.memory_space<hbm>>
    %dma_start3A_20 = arith.constant 0 : i32
    %dma_start3A_21 = tpu.memref_slice %arg4[%add3A_17, %dma_start3A_20] : memref<51200x64xf32, #tpu.memory_space<hbm>> -> memref<400x64xf32, #tpu.memory_space<hbm>>
    tpu.enqueue_dma source(%arg6 : memref<400x64xf32, #tpu.memory_space<vmem>>) target(%dma_start3A_21 : memref<400x64xf32, #tpu.memory_space<hbm>>) target_semaphore(%arg10 : memref<!tpu.dma_semaphore, #tpu.memory_space<semaphore_mem>>)
    %dma_wait3A_22 = arith.constant 400 : i32
    %dma_wait3A_23 = tpu.memref_slice %arg5[%dma_wait3A_22] : memref<1600xi32, #tpu.memory_space<vmem>> -> memref<400xi32, #tpu.memory_space<vmem>>
    %dma_wait3A_24 = arith.constant 0 : i32
    %dma_wait3A_25 = arith.constant 0 : i32
    %dma_wait3A_26 = tpu.memref_slice %arg3[%dma_wait3A_24, %dma_wait3A_25] : memref<1000x64xf32, #tpu.memory_space<hbm>> -> memref<1000x64xf32, #tpu.memory_space<hbm>>
    tpu.wait_indirect_dma semaphore(%arg9 : memref<!tpu.dma_semaphore, #tpu.memory_space<semaphore_mem>>) src(%dma_wait3A_26 : memref<1000x64xf32, #tpu.memory_space<hbm>>) dst(%arg7 : memref<400x64xf32, #tpu.memory_space<vmem>>)
    %dma_wait3A_27 = arith.constant 0 : i32
    %dma_wait3A_28 = tpu.memref_slice %arg4[%add3A_17, %dma_wait3A_27] : memref<51200x64xf32, #tpu.memory_space<hbm>> -> memref<400x64xf32, #tpu.memory_space<hbm>>
    %dma_wait3A_29 = arith.constant 0 : i32
    %dma_wait3A_30 = tpu.memref_slice %arg4[%add3A_17, %dma_wait3A_29] : memref<51200x64xf32, #tpu.memory_space<hbm>> -> memref<400x64xf32, #tpu.memory_space<hbm>>
    tpu.wait_dma2 semaphore(%arg10 : memref<!tpu.dma_semaphore, #tpu.memory_space<semaphore_mem>>) src(%arg6 : memref<400x64xf32, #tpu.memory_space<vmem>>) dst(%dma_wait3A_30 : memref<400x64xf32, #tpu.memory_space<hbm>>)
    %dma_start3A_31 = arith.constant 800 : i32
    %dma_start3A_32 = tpu.memref_slice %arg5[%dma_start3A_31] : memref<1600xi32, #tpu.memory_space<vmem>> -> memref<400xi32, #tpu.memory_space<vmem>>
    %dma_start3A_33 = arith.constant 0 : i32
    %dma_start3A_34 = arith.constant 0 : i32
    %dma_start3A_35 = tpu.memref_slice %arg3[%dma_start3A_33, %dma_start3A_34] : memref<1000x64xf32, #tpu.memory_space<hbm>> -> memref<1000x64xf32, #tpu.memory_space<hbm>>
    tpu.enqueue_indirect_dma source(%dma_start3A_35 : memref<1000x64xf32, #tpu.memory_space<hbm>>) target(%arg6 : memref<400x64xf32, #tpu.memory_space<vmem>>) offsets(%dma_start3A_32 : memref<400xi32, #tpu.memory_space<vmem>>) semaphore(%arg8 : memref<!tpu.dma_semaphore, #tpu.memory_space<semaphore_mem>>)
    %add3A_36 = arith.constant 400 : i32
    %add3A_37 = arith.addi %mul3A_2, %add3A_36 : i32
    %dma_start3A_38 = arith.constant 0 : i32
    %dma_start3A_39 = tpu.memref_slice %arg4[%add3A_37, %dma_start3A_38] : memref<51200x64xf32, #tpu.memory_space<hbm>> -> memref<400x64xf32, #tpu.memory_space<hbm>>
    %dma_start3A_40 = arith.constant 0 : i32
    %dma_start3A_41 = tpu.memref_slice %arg4[%add3A_37, %dma_start3A_40] : memref<51200x64xf32, #tpu.memory_space<hbm>> -> memref<400x64xf32, #tpu.memory_space<hbm>>
    tpu.enqueue_dma source(%arg7 : memref<400x64xf32, #tpu.memory_space<vmem>>) target(%dma_start3A_41 : memref<400x64xf32, #tpu.memory_space<hbm>>) target_semaphore(%arg11 : memref<!tpu.dma_semaphore, #tpu.memory_space<semaphore_mem>>)
    %dma_wait3A_42 = arith.constant 800 : i32
    %dma_wait3A_43 = tpu.memref_slice %arg5[%dma_wait3A_42] : memref<1600xi32, #tpu.memory_space<vmem>> -> memref<400xi32, #tpu.memory_space<vmem>>
    %dma_wait3A_44 = arith.constant 0 : i32
    %dma_wait3A_45 = arith.constant 0 : i32
    %dma_wait3A_46 = tpu.memref_slice %arg3[%dma_wait3A_44, %dma_wait3A_45] : memref<1000x64xf32, #tpu.memory_space<hbm>> -> memref<1000x64xf32, #tpu.memory_space<hbm>>
    tpu.wait_indirect_dma semaphore(%arg8 : memref<!tpu.dma_semaphore, #tpu.memory_space<semaphore_mem>>) src(%dma_wait3A_46 : memref<1000x64xf32, #tpu.memory_space<hbm>>) dst(%arg6 : memref<400x64xf32, #tpu.memory_space<vmem>>)
    %dma_wait3A_47 = arith.constant 0 : i32
    %dma_wait3A_48 = tpu.memref_slice %arg4[%add3A_37, %dma_wait3A_47] : memref<51200x64xf32, #tpu.memory_space<hbm>> -> memref<400x64xf32, #tpu.memory_space<hbm>>
    %dma_wait3A_49 = arith.constant 0 : i32
    %dma_wait3A_50 = tpu.memref_slice %arg4[%add3A_37, %dma_wait3A_49] : memref<51200x64xf32, #tpu.memory_space<hbm>> -> memref<400x64xf32, #tpu.memory_space<hbm>>
    tpu.wait_dma2 semaphore(%arg11 : memref<!tpu.dma_semaphore, #tpu.memory_space<semaphore_mem>>) src(%arg7 : memref<400x64xf32, #tpu.memory_space<vmem>>) dst(%dma_wait3A_50 : memref<400x64xf32, #tpu.memory_space<hbm>>)
    %dma_start3A_51 = arith.constant 1200 : i32
    %dma_start3A_52 = tpu.memref_slice %arg5[%dma_start3A_51] : memref<1600xi32, #tpu.memory_space<vmem>> -> memref<400xi32, #tpu.memory_space<vmem>>
    %dma_start3A_53 = arith.constant 0 : i32
    %dma_start3A_54 = arith.constant 0 : i32
    %dma_start3A_55 = tpu.memref_slice %arg3[%dma_start3A_53, %dma_start3A_54] : memref<1000x64xf32, #tpu.memory_space<hbm>> -> memref<1000x64xf32, #tpu.memory_space<hbm>>
    tpu.enqueue_indirect_dma source(%dma_start3A_55 : memref<1000x64xf32, #tpu.memory_space<hbm>>) target(%arg7 : memref<400x64xf32, #tpu.memory_space<vmem>>) offsets(%dma_start3A_52 : memref<400xi32, #tpu.memory_space<vmem>>) semaphore(%arg9 : memref<!tpu.dma_semaphore, #tpu.memory_space<semaphore_mem>>)
    %add3A_56 = arith.constant 800 : i32
    %add3A_57 = arith.addi %mul3A_2, %add3A_56 : i32
    %dma_start3A_58 = arith.constant 0 : i32
    %dma_start3A_59 = tpu.memref_slice %arg4[%add3A_57, %dma_start3A_58] : memref<51200x64xf32, #tpu.memory_space<hbm>> -> memref<400x64xf32, #tpu.memory_space<hbm>>
    %dma_start3A_60 = arith.constant 0 : i32
    %dma_start3A_61 = tpu.memref_slice %arg4[%add3A_57, %dma_start3A_60] : memref<51200x64xf32, #tpu.memory_space<hbm>> -> memref<400x64xf32, #tpu.memory_space<hbm>>
    tpu.enqueue_dma source(%arg6 : memref<400x64xf32, #tpu.memory_space<vmem>>) target(%dma_start3A_61 : memref<400x64xf32, #tpu.memory_space<hbm>>) target_semaphore(%arg10 : memref<!tpu.dma_semaphore, #tpu.memory_space<semaphore_mem>>)
    %dma_wait3A_62 = arith.constant 1200 : i32
    %dma_wait3A_63 = tpu.memref_slice %arg5[%dma_wait3A_62] : memref<1600xi32, #tpu.memory_space<vmem>> -> memref<400xi32, #tpu.memory_space<vmem>>
    %dma_wait3A_64 = arith.constant 0 : i32
    %dma_wait3A_65 = arith.constant 0 : i32
    %dma_wait3A_66 = tpu.memref_slice %arg3[%dma_wait3A_64, %dma_wait3A_65] : memref<1000x64xf32, #tpu.memory_space<hbm>> -> memref<1000x64xf32, #tpu.memory_space<hbm>>
    tpu.wait_indirect_dma semaphore(%arg9 : memref<!tpu.dma_semaphore, #tpu.memory_space<semaphore_mem>>) src(%dma_wait3A_66 : memref<1000x64xf32, #tpu.memory_space<hbm>>) dst(%arg7 : memref<400x64xf32, #tpu.memory_space<vmem>>)
    %add3A_67 = arith.constant 1200 : i32
    %add3A_68 = arith.addi %mul3A_2, %add3A_67 : i32
    %dma_start3A_69 = arith.constant 0 : i32
    %dma_start3A_70 = tpu.memref_slice %arg4[%add3A_68, %dma_start3A_69] : memref<51200x64xf32, #tpu.memory_space<hbm>> -> memref<400x64xf32, #tpu.memory_space<hbm>>
    %dma_start3A_71 = arith.constant 0 : i32
    %dma_start3A_72 = tpu.memref_slice %arg4[%add3A_68, %dma_start3A_71] : memref<51200x64xf32, #tpu.memory_space<hbm>> -> memref<400x64xf32, #tpu.memory_space<hbm>>
    tpu.enqueue_dma source(%arg7 : memref<400x64xf32, #tpu.memory_space<vmem>>) target(%dma_start3A_72 : memref<400x64xf32, #tpu.memory_space<hbm>>) target_semaphore(%arg11 : memref<!tpu.dma_semaphore, #tpu.memory_space<semaphore_mem>>)
    %dma_wait3A_73 = arith.constant 0 : i32
    %dma_wait3A_74 = tpu.memref_slice %arg4[%add3A_57, %dma_wait3A_73] : memref<51200x64xf32, #tpu.memory_space<hbm>> -> memref<400x64xf32, #tpu.memory_space<hbm>>
    %dma_wait3A_75 = arith.constant 0 : i32
    %dma_wait3A_76 = tpu.memref_slice %arg4[%add3A_57, %dma_wait3A_75] : memref<51200x64xf32, #tpu.memory_space<hbm>> -> memref<400x64xf32, #tpu.memory_space<hbm>>
    tpu.wait_dma2 semaphore(%arg10 : memref<!tpu.dma_semaphore, #tpu.memory_space<semaphore_mem>>) src(%arg6 : memref<400x64xf32, #tpu.memory_space<vmem>>) dst(%dma_wait3A_76 : memref<400x64xf32, #tpu.memory_space<hbm>>)
    %dma_wait3A_77 = arith.constant 0 : i32
    %dma_wait3A_78 = tpu.memref_slice %arg4[%add3A_68, %dma_wait3A_77] : memref<51200x64xf32, #tpu.memory_space<hbm>> -> memref<400x64xf32, #tpu.memory_space<hbm>>
    %dma_wait3A_79 = arith.constant 0 : i32
    %dma_wait3A_80 = tpu.memref_slice %arg4[%add3A_68, %dma_wait3A_79] : memref<51200x64xf32, #tpu.memory_space<hbm>> -> memref<400x64xf32, #tpu.memory_space<hbm>>
    tpu.wait_dma2 semaphore(%arg11 : memref<!tpu.dma_semaphore, #tpu.memory_space<semaphore_mem>>) src(%arg7 : memref<400x64xf32, #tpu.memory_space<vmem>>) dst(%dma_wait3A_80 : memref<400x64xf32, #tpu.memory_space<hbm>>)
    return
  }
}

module attributes {stable_mosaic.version = 14 : i64} {
  func.func @_edge_body(%arg0: i32, %arg1: memref<1x1x32000xi32, #tpu.memory_space<vmem>>, %arg2: memref<64x32xf32, #tpu.memory_space<vmem>>, %arg3: memref<64x32000xf32, #tpu.memory_space<vmem>>) attributes {dimension_semantics = [#tpu.dimension_semantics<arbitrary>], iteration_bounds = array<i64: 25>, scalar_prefetch = 0 : i64, scratch_operands = 0 : i64, tpu.core_type = #tpu.core_type<tc>, window_params = [{transform_indices = @transform_0, window_bounds = array<i64: 1, 1, 32000>}, {pipeline_mode = #tpu.pipeline_mode<synchronous>, transform_indices = @transform_1, window_bounds = array<i64: 64, 32>}, {transform_indices = @transform_2, window_bounds = array<i64: 64, 32000>}]} {
    %get3A = arith.constant 0 : index
    %get3A_0 = arith.constant 0 : index
    %get3A_1 = arith.constant 0 : index
    %get3A_2 = vector.load %arg1[%get3A, %get3A_0, %get3A_1] : memref<1x1x32000xi32, #tpu.memory_space<vmem>>, vector<1x1x32000xi32>
    %get3A_3 = vector.shape_cast %get3A_2 : vector<1x1x32000xi32> to vector<32000xi32>
    %get3A_4 = arith.constant 0 : index
    %get3A_5 = arith.constant 0 : index
    %get3A_6 = vector.load %arg2[%get3A_4, %get3A_5] : memref<64x32xf32, #tpu.memory_space<vmem>>, vector<64x32xf32>
    %max3A = arith.constant 0.000000e+00 : f32
    %max3A_7 = vector.broadcast %max3A : f32 to vector<64x32xf32>
    %max3A_8 = arith.maximumf %get3A_6, %max3A_7 : vector<64x32xf32>
    %iota3A = tpu.iota {dimensions = array<i32: 0>} : vector<32x32000xi32>
    %broadcast_in_dim3A = vector.shape_cast %get3A_3 : vector<32000xi32> to vector<1x32000xi32>
    %eq3A = vector.broadcast %broadcast_in_dim3A : vector<1x32000xi32> to vector<32x32000xi32>
    %eq3A_9 = arith.cmpi eq, %iota3A, %eq3A : vector<32x32000xi32>
    %convert_element_type3A = arith.extui %eq3A_9 : vector<32x32000xi1> to vector<32x32000xi32>
    %convert_element_type3A_10 = arith.sitofp %convert_element_type3A : vector<32x32000xi32> to vector<32x32000xf32>
    %dot_general3A = arith.constant dense<0.000000e+00> : vector<64x32000xf32>
    %dot_general3A_11 = tpu.matmul %max3A_8, %convert_element_type3A_10, %dot_general3A {dimension_numbers = #tpu.dot_dimension_numbers<[1], [0], [0], [1], [0, 0, 1, 1], [], []>, transpose_lhs_hint = false} : vector<64x32xf32>, vector<32x32000xf32>, vector<64x32000xf32> -> vector<64x32000xf32>
    %swap3A = arith.constant 0 : index
    %swap3A_12 = arith.constant 0 : index
    %swap3A_13 = vector.load %arg3[%swap3A, %swap3A_12] : memref<64x32000xf32, #tpu.memory_space<vmem>>, vector<64x32000xf32>
    tpu.vector_store %arg3[%swap3A, %swap3A_12], %dot_general3A_11 {strides = array<i32>} : memref<64x32000xf32, #tpu.memory_space<vmem>>, vector<64x32000xf32>,
    return
  }
  func.func @transform_0(%arg0: i32) -> (i32, i32, i32) {
    %c0_i32 = arith.constant 0 : i32
    %c0_i32_0 = arith.constant 0 : i32
    %c0_i32_1 = arith.constant 0 : i32
    return %arg0, %c0_i32, %c0_i32_0 : i32, i32, i32
  }
  func.func @transform_1(%arg0: i32) -> (i32, i32) {
    %c0_i32 = arith.constant 0 : i32
    %c0_i32_0 = arith.constant 0 : i32
    %c0_i32_1 = arith.constant 0 : i32
    return %c0_i32, %c0_i32_0 : i32, i32
  }
  func.func @transform_2(%arg0: i32) -> (i32, i32) {
    %c0_i32 = arith.constant 0 : i32
    %c0_i32_0 = arith.constant 0 : i32
    return %c0_i32, %arg0 : i32, i32
  }
}

module attributes {stable_mosaic.version = 14 : i64} {
  func.func @_node_body(%arg0: i32, %arg1: memref<2560x64xf32, #tpu.memory_space<vmem>>, %arg2: memref<1x2560xi32, #tpu.memory_space<vmem>>, %arg3: memref<8x2560xf32, #tpu.memory_space<vmem>>, %arg4: memref<360x32xf32, #tpu.memory_space<vmem>>, %arg5: memref<64x64xf32, #tpu.memory_space<vmem>>, %arg6: memref<64x32xf32, #tpu.memory_space<vmem>>, %arg7: memref<64x16xf32, #tpu.memory_space<vmem>>, %arg8: memref<64x16xf32, #tpu.memory_space<vmem>>, %arg9: memref<16x3xf32, #tpu.memory_space<vmem>>, %arg10: memref<16x3xf32, #tpu.memory_space<vmem>>, %arg11: memref<1x16xf32, #tpu.memory_space<vmem>>, %arg12: memref<1x16xf32, #tpu.memory_space<vmem>>, %arg13: memref<1x64xf32, #tpu.memory_space<vmem>>, %arg14: memref<64x2560xf32, #tpu.memory_space<vmem>>) attributes {dimension_semantics = [#tpu.dimension_semantics<arbitrary>], iteration_bounds = array<i64: 20>, scalar_prefetch = 0 : i64, scratch_operands = 0 : i64, tpu.core_type = #tpu.core_type<tc>, window_params = [{transform_indices = @transform_0, window_bounds = array<i64: 2560, 64>}, {transform_indices = @transform_1, window_bounds = array<i64: 1, 2560>}, {transform_indices = @transform_2, window_bounds = array<i64: 8, 2560>}, {pipeline_mode = #tpu.pipeline_mode<synchronous>, transform_indices = @transform_3, window_bounds = array<i64: 360, 32>}, {pipeline_mode = #tpu.pipeline_mode<synchronous>, transform_indices = @transform_4, window_bounds = array<i64: 64, 64>}, {pipeline_mode = #tpu.pipeline_mode<synchronous>, transform_indices = @transform_5, window_bounds = array<i64: 64, 32>}, {pipeline_mode = #tpu.pipeline_mode<synchronous>, transform_indices = @transform_6, window_bounds = array<i64: 64, 16>}, {pipeline_mode = #tpu.pipeline_mode<synchronous>, transform_indices = @transform_7, window_bounds = array<i64: 64, 16>}, {pipeline_mode = #tpu.pipeline_mode<synchronous>, transform_indices = @transform_8, window_bounds = array<i64: 16, 3>}, {pipeline_mode = #tpu.pipeline_mode<synchronous>, transform_indices = @transform_9, window_bounds = array<i64: 16, 3>}, {pipeline_mode = #tpu.pipeline_mode<synchronous>, transform_indices = @transform_10, window_bounds = array<i64: 1, 16>}, {pipeline_mode = #tpu.pipeline_mode<synchronous>, transform_indices = @transform_11, window_bounds = array<i64: 1, 16>}, {pipeline_mode = #tpu.pipeline_mode<synchronous>, transform_indices = @transform_12, window_bounds = array<i64: 1, 64>}, {transform_indices = @transform_13, window_bounds = array<i64: 64, 2560>}]} {
    %get3A = arith.constant 0 : index
    %get3A_0 = arith.constant 0 : index
    %get3A_1 = vector.load %arg9[%get3A, %get3A_0] : memref<16x3xf32, #tpu.memory_space<vmem>>, vector<16x3xf32>
    %get3A_2 = arith.constant 0 : index
    %get3A_3 = arith.constant 0 : index
    %get3A_4 = vector.load %arg7[%get3A_2, %get3A_3] : memref<64x16xf32, #tpu.memory_space<vmem>>, vector<64x16xf32>
    %dot_general3A = arith.constant dense<0.000000e+00> : vector<3x64xf32>
    %dot_general3A_5 = tpu.matmul %get3A_1, %get3A_4, %dot_general3A {dimension_numbers = #tpu.dot_dimension_numbers<[0], [1], [1], [0], [0, 1, 1, 0], [], []>, transpose_lhs_hint = false} : vector<16x3xf32>, vector<64x16xf32>, vector<3x64xf32> -> vector<3x64xf32>
    %get3A_6 = arith.constant 0 : index
    %get3A_7 = arith.constant 0 : index
    %get3A_8 = vector.load %arg10[%get3A_6, %get3A_7] : memref<16x3xf32, #tpu.memory_space<vmem>>, vector<16x3xf32>
    %get3A_9 = arith.constant 0 : index
    %get3A_10 = arith.constant 0 : index
    %get3A_11 = vector.load %arg8[%get3A_9, %get3A_10] : memref<64x16xf32, #tpu.memory_space<vmem>>, vector<64x16xf32>
    %dot_general3A_12 = arith.constant dense<0.000000e+00> : vector<3x64xf32>
    %dot_general3A_13 = tpu.matmul %get3A_8, %get3A_11, %dot_general3A_12 {dimension_numbers = #tpu.dot_dimension_numbers<[0], [1], [1], [0], [0, 1, 1, 0], [], []>, transpose_lhs_hint = false} : vector<16x3xf32>, vector<64x16xf32>, vector<3x64xf32> -> vector<3x64xf32>
    %get3A_14 = arith.constant 0 : index
    %get3A_15 = arith.constant 0 : index
    %get3A_16 = vector.load %arg11[%get3A_14, %get3A_15] : memref<1x16xf32, #tpu.memory_space<vmem>>, vector<1x16xf32>
    %get3A_17 = arith.constant 0 : index
    %get3A_18 = arith.constant 0 : index
    %get3A_19 = vector.load %arg7[%get3A_17, %get3A_18] : memref<64x16xf32, #tpu.memory_space<vmem>>, vector<64x16xf32>
    %dot_general3A_20 = arith.constant dense<0.000000e+00> : vector<1x64xf32>
    %dot_general3A_21 = tpu.matmul %get3A_16, %get3A_19, %dot_general3A_20 {dimension_numbers = #tpu.dot_dimension_numbers<[1], [1], [0], [0], [0, 0, 1, 0], [], []>, transpose_lhs_hint = false} : vector<1x16xf32>, vector<64x16xf32>, vector<1x64xf32> -> vector<1x64xf32>
    %get3A_22 = arith.constant 0 : index
    %get3A_23 = arith.constant 0 : index
    %get3A_24 = vector.load %arg12[%get3A_22, %get3A_23] : memref<1x16xf32, #tpu.memory_space<vmem>>, vector<1x16xf32>
    %get3A_25 = arith.constant 0 : index
    %get3A_26 = arith.constant 0 : index
    %get3A_27 = vector.load %arg8[%get3A_25, %get3A_26] : memref<64x16xf32, #tpu.memory_space<vmem>>, vector<64x16xf32>
    %dot_general3A_28 = arith.constant dense<0.000000e+00> : vector<1x64xf32>
    %dot_general3A_29 = tpu.matmul %get3A_24, %get3A_27, %dot_general3A_28 {dimension_numbers = #tpu.dot_dimension_numbers<[1], [1], [0], [0], [0, 0, 1, 0], [], []>, transpose_lhs_hint = false} : vector<1x16xf32>, vector<64x16xf32>, vector<1x64xf32> -> vector<1x64xf32>
    %add3A = arith.addf %dot_general3A_21, %dot_general3A_29 : vector<1x64xf32>
    %get3A_30 = arith.constant 0 : index
    %get3A_31 = arith.constant 0 : index
    %get3A_32 = vector.load %arg13[%get3A_30, %get3A_31] : memref<1x64xf32, #tpu.memory_space<vmem>>, vector<1x64xf32>
    %add3A_33 = arith.addf %add3A, %get3A_32 : vector<1x64xf32>
    %broadcast_in_dim3A = arith.constant 0.000000e+00 : f32
    %broadcast_in_dim3A_34 = vector.broadcast %broadcast_in_dim3A : f32 to vector<1x64xf32>
    %concatenate3A = tpu.concatenate %dot_general3A_5, %dot_general3A_13, %add3A_33, %broadcast_in_dim3A_34 in 0 : vector<3x64xf32>, vector<3x64xf32>, vector<1x64xf32>, vector<1x64xf32> -> vector<8x64xf32>
    %get3A_35 = arith.constant 0 : index
    %get3A_36 = arith.constant 0 : index
    %get3A_37 = vector.load %arg6[%get3A_35, %get3A_36] : memref<64x32xf32, #tpu.memory_space<vmem>>, vector<64x32xf32>
    %get3A_38 = arith.constant 0 : index
    %get3A_39 = arith.constant 0 : index
    %get3A_40 = vector.load %arg4[%get3A_38, %get3A_39] : memref<360x32xf32, #tpu.memory_space<vmem>>, vector<360x32xf32>
    %dot_general3A_41 = arith.constant dense<0.000000e+00> : vector<64x360xf32>
    %dot_general3A_42 = tpu.matmul %get3A_37, %get3A_40, %dot_general3A_41 {dimension_numbers = #tpu.dot_dimension_numbers<[1], [1], [0], [0], [0, 0, 1, 0], [], []>, transpose_lhs_hint = false} : vector<64x32xf32>, vector<360x32xf32>, vector<64x360xf32> -> vector<64x360xf32>
    %get3A_43 = arith.constant 0 : index
    %get3A_44 = arith.constant 0 : index
    %get3A_45 = vector.load %arg2[%get3A_43, %get3A_44] : memref<1x2560xi32, #tpu.memory_space<vmem>>, vector<1x2560xi32>
    %get3A_46 = vector.shape_cast %get3A_45 : vector<1x2560xi32> to vector<2560xi32>
    %iota3A = tpu.iota {dimensions = array<i32: 0>} : vector<360x2560xi32>
    %broadcast_in_dim3A_47 = vector.shape_cast %get3A_46 : vector<2560xi32> to vector<1x2560xi32>
    %eq3A = vector.broadcast %broadcast_in_dim3A_47 : vector<1x2560xi32> to vector<360x2560xi32>
    %eq3A_48 = arith.cmpi eq, %iota3A, %eq3A : vector<360x2560xi32>
    %convert_element_type3A = arith.extui %eq3A_48 : vector<360x2560xi1> to vector<360x2560xi32>
    %convert_element_type3A_49 = arith.sitofp %convert_element_type3A : vector<360x2560xi32> to vector<360x2560xf32>
    %get3A_50 = arith.constant 0 : index
    %get3A_51 = arith.constant 0 : index
    %get3A_52 = vector.load %arg5[%get3A_50, %get3A_51] : memref<64x64xf32, #tpu.memory_space<vmem>>, vector<64x64xf32>
    %get3A_53 = arith.constant 0 : index
    %get3A_54 = arith.constant 0 : index
    %get3A_55 = vector.load %arg1[%get3A_53, %get3A_54] : memref<2560x64xf32, #tpu.memory_space<vmem>>, vector<2560x64xf32>
    %dot_general3A_56 = arith.constant dense<0.000000e+00> : vector<64x2560xf32>
    %dot_general3A_57 = tpu.matmul %get3A_52, %get3A_55, %dot_general3A_56 {dimension_numbers = #tpu.dot_dimension_numbers<[1], [1], [0], [0], [0, 0, 1, 0], [], []>, transpose_lhs_hint = false} : vector<64x64xf32>, vector<2560x64xf32>, vector<64x2560xf32> -> vector<64x2560xf32>
    %dot_general3A_58 = arith.constant dense<0.000000e+00> : vector<64x2560xf32>
    %dot_general3A_59 = tpu.matmul %dot_general3A_42, %convert_element_type3A_49, %dot_general3A_58 {dimension_numbers = #tpu.dot_dimension_numbers<[1], [0], [0], [1], [0, 0, 1, 1], [], []>, transpose_lhs_hint = false} : vector<64x360xf32>, vector<360x2560xf32>, vector<64x2560xf32> -> vector<64x2560xf32>
    %add3A_60 = arith.addf %dot_general3A_57, %dot_general3A_59 : vector<64x2560xf32>
    %get3A_61 = arith.constant 0 : index
    %get3A_62 = arith.constant 0 : index
    %get3A_63 = vector.load %arg3[%get3A_61, %get3A_62] : memref<8x2560xf32, #tpu.memory_space<vmem>>, vector<8x2560xf32>
    %dot_general3A_64 = arith.constant dense<0.000000e+00> : vector<64x2560xf32>
    %dot_general3A_65 = tpu.matmul %concatenate3A, %get3A_63, %dot_general3A_64 {dimension_numbers = #tpu.dot_dimension_numbers<[0], [0], [1], [1], [0, 1, 1, 1], [], []>, transpose_lhs_hint = false} : vector<8x64xf32>, vector<8x2560xf32>, vector<64x2560xf32> -> vector<64x2560xf32>
    %add3A_66 = arith.addf %add3A_60, %dot_general3A_65 : vector<64x2560xf32>
    %max3A = arith.constant 0.000000e+00 : f32
    %max3A_67 = vector.broadcast %max3A : f32 to vector<64x2560xf32>
    %max3A_68 = arith.maximumf %add3A_66, %max3A_67 : vector<64x2560xf32>
    %swap3A = arith.constant 0 : index
    %swap3A_69 = arith.constant 0 : index
    %swap3A_70 = vector.load %arg14[%swap3A, %swap3A_69] : memref<64x2560xf32, #tpu.memory_space<vmem>>, vector<64x2560xf32>
    tpu.vector_store %arg14[%swap3A, %swap3A_69], %max3A_68 {strides = array<i32>} : memref<64x2560xf32, #tpu.memory_space<vmem>>, vector<64x2560xf32>,
    return
  }
  func.func @transform_0(%arg0: i32) -> (i32, i32) {
    %c0_i32 = arith.constant 0 : i32
    %c0_i32_0 = arith.constant 0 : i32
    return %arg0, %c0_i32 : i32, i32
  }
  func.func @transform_1(%arg0: i32) -> (i32, i32) {
    %c0_i32 = arith.constant 0 : i32
    %c0_i32_0 = arith.constant 0 : i32
    return %c0_i32, %arg0 : i32, i32
  }
  func.func @transform_2(%arg0: i32) -> (i32, i32) {
    %c0_i32 = arith.constant 0 : i32
    %c0_i32_0 = arith.constant 0 : i32
    return %c0_i32, %arg0 : i32, i32
  }
  func.func @transform_3(%arg0: i32) -> (i32, i32) {
    %c0_i32 = arith.constant 0 : i32
    %c0_i32_0 = arith.constant 0 : i32
    %c0_i32_1 = arith.constant 0 : i32
    return %c0_i32, %c0_i32_0 : i32, i32
  }
  func.func @transform_4(%arg0: i32) -> (i32, i32) {
    %c0_i32 = arith.constant 0 : i32
    %c0_i32_0 = arith.constant 0 : i32
    %c0_i32_1 = arith.constant 0 : i32
    return %c0_i32, %c0_i32_0 : i32, i32
  }
  func.func @transform_5(%arg0: i32) -> (i32, i32) {
    %c0_i32 = arith.constant 0 : i32
    %c0_i32_0 = arith.constant 0 : i32
    %c0_i32_1 = arith.constant 0 : i32
    return %c0_i32, %c0_i32_0 : i32, i32
  }
  func.func @transform_6(%arg0: i32) -> (i32, i32) {
    %c0_i32 = arith.constant 0 : i32
    %c0_i32_0 = arith.constant 0 : i32
    %c0_i32_1 = arith.constant 0 : i32
    return %c0_i32, %c0_i32_0 : i32, i32
  }
  func.func @transform_7(%arg0: i32) -> (i32, i32) {
    %c0_i32 = arith.constant 0 : i32
    %c0_i32_0 = arith.constant 0 : i32
    %c0_i32_1 = arith.constant 0 : i32
    return %c0_i32, %c0_i32_0 : i32, i32
  }
  func.func @transform_8(%arg0: i32) -> (i32, i32) {
    %c0_i32 = arith.constant 0 : i32
    %c0_i32_0 = arith.constant 0 : i32
    %c0_i32_1 = arith.constant 0 : i32
    return %c0_i32, %c0_i32_0 : i32, i32
  }
  func.func @transform_9(%arg0: i32) -> (i32, i32) {
    %c0_i32 = arith.constant 0 : i32
    %c0_i32_0 = arith.constant 0 : i32
    %c0_i32_1 = arith.constant 0 : i32
    return %c0_i32, %c0_i32_0 : i32, i32
  }
  func.func @transform_10(%arg0: i32) -> (i32, i32) {
    %c0_i32 = arith.constant 0 : i32
    %c0_i32_0 = arith.constant 0 : i32
    %c0_i32_1 = arith.constant 0 : i32
    return %c0_i32, %c0_i32_0 : i32, i32
  }
  func.func @transform_11(%arg0: i32) -> (i32, i32) {
    %c0_i32 = arith.constant 0 : i32
    %c0_i32_0 = arith.constant 0 : i32
    %c0_i32_1 = arith.constant 0 : i32
    return %c0_i32, %c0_i32_0 : i32, i32
  }
  func.func @transform_12(%arg0: i32) -> (i32, i32) {
    %c0_i32 = arith.constant 0 : i32
    %c0_i32_0 = arith.constant 0 : i32
    %c0_i32_1 = arith.constant 0 : i32
    return %c0_i32, %c0_i32_0 : i32, i32
  }
  func.func @transform_13(%arg0: i32) -> (i32, i32) {
    %c0_i32 = arith.constant 0 : i32
    %c0_i32_0 = arith.constant 0 : i32
    return %c0_i32, %arg0 : i32, i32
  }
}

</mosaic_0001>

<sc_bundles>
// kernel: kernel.5.cloned.1.call-start
scs
__scs_entry_jumppad:
0x0: {  	(pc) =	sbr.rel $0x88, $3  }
0x1: {  	(tag) =	ssettag $0x0;
	lr =	simm.s32 $0x1  }
0x2: {  	[smem:$0x3F93] =	sst lr;
	_ =	strace $0xD0000000  }
0x3: {  	_ = 	snop  }
0x4: {  	_ = 	snop  }
0x5: {  	_ = 	snop  }
0x6: {  	_ = 	snop  }
0x7: {  	_ = 	snop  }
__scs_overlays_trampoline_lowered:
0x8: {  	[smem:$0x3FA2] =	sst s0  }
0x9: {  	[smem:$0x3FA3] =	sst s1  }
0xa: {  	[smem:$0x3FA4] =	sst s2  }
0xb: {  	[smem:$0x3FA5] =	sst s3  }
0xc: {  	[smem:$0x3FA6] =	sst s4  }
0xd: {  	[smem:$0x3FA7] =	sst s5  }
0xe: {  	[smem:$0x3FA8] =	sst s6  }
0xf: {  	[smem:$0x3FA9] =	sst s7  }
0x10: {  	[smem:$0x3FAA] =	sst s8  }
0x11: {  	[smem:$0x3FAB] =	sst s9;
	s0 =	simm.s32 @!p0 $0x0  }
0x12: {  	s1 =	sld [smem:$0x3F91];
	s0 =	simm.s32 @p0 $0x1  }
0x13: {  	[smem:$0x3FAC] =	sst s0;
	s0 =	simm.s32 @!p1 $0x0  }
0x14: {  	s2 =	sld [smem:$0x3F90];
	s0 =	simm.s32 @p1 $0x1  }
0x15: {  	[smem:$0x3FAD] =	sst s0;
	s0 =	simm.s32 @!p2 $0x0  }
0x16: {  	s3 =	sld [smem:$0x3FDB];
	s0 =	simm.s32 @p2 $0x1  }
0x17: {  	s4 =	simm.s32 $0x1BF5;
	[smem:$0x3FAF] =	sst s0  }
0x18: {  	s0 =	sld [smem:$0x3F92];
	_ =	swait.ge [sflag:s4], $0x0  }
0x19: {  	s7 =	sld [smem:$0x3F93]  }
0x1a: {  	s8 =	sadd.s32 $0xFFFFE003, lr  }
0x1b: {  	s9 =	sadd.s32 $0xFFFFFEF7, lr;
	s5 =	simm.s32 $0xFFFFFFFF;
	p2 =	slt.u32 s8, $0xFFFFF086  }
0x1c: {  	p1 =	slt.u32 s9, $0xF7A;
	s5 =	simm.s32 @!p2 $0x0  }
0x1d: {  	s5 =	simm.s32 @p1 $0x1;
	p0 =	seq.s32 s7, s2  }
0x1e: {  	s7 =	smul.u32 @!p0 $0xF7A, s2;
	p2 =	seq.s32 @!p0 s5, $0x0  }
0x1f: {  	s9 =	smul.u32 $0xF7A, s1;
	s8 =	simm.s32 @!p0 $0x1BF5;
	p2 =	por !p2, p0  }
0x20: {  	[sflag:s8] =	ssyncset.s32 @!p0 $0xFFFFF086;
	s6 =	sadd.s32 @!p0 s3, s7;
	s7 =	simm.s32 @!p0 $0x108  }
0x21: {  	s3 =	sadd.s32 s3, s9;
	s6 =	sadd.s32 @!p0 $0x88, s6;
	s7 =	simm.s32 @p2 $0x1082  }
0x22: {  	[simem:s7], [sflag:s8] =	dma.local @!p0 [hbm:s6], $0xF7A  }
0x23: {  	s9 =	sor.u32 $0xD0000000, s2;
	s6 =	simm.s32 $0x108;
	_ =	swait.ge @!p0 [sflag:s8], $0x0  }
0x24: {  	s3 =	sadd.s32 $0x88, s3;
	s6 =	simm.s32 @!p1 $0x1082;
	[sflag:s4] =	ssyncset.s32 $0xFFFFF086  }
0x25: {  	[simem:s6], [sflag:s4] =	dma.local [hbm:s3], $0xF7A  }
0x26: {  	[smem:$0x3F93] =	sst s1;
	(tag) =	ssettag s2;
	_ =	strace s9  }
0x27: {  	s1 =	sld [smem:$0x3FA3]  }
0x28: {  	s2 =	sld [smem:$0x3FA4]  }
0x29: {  	s4 =	sld [smem:$0x3FA6]  }
0x2a: {  	p0 =	seq.s32 s5, $0x0;
	s5 =	sld [smem:$0x3FA7]  }
0x2b: {  	s6 =	sld [smem:$0x3FA8]  }
0x2c: {  	s7 =	sld [smem:$0x3FA9]  }
0x2d: {  	s3 =	simm.s32 $0x108;
	s8 =	sld [smem:$0x3FAA]  }
0x2e: {  	s3 =	simm.s32 @!p0 $0x1082;
	s9 =	sld [smem:$0x3FAB]  }
0x2f: {  	lr =	sadd.s32 s0, s3;
	s0 =	sld [smem:$0x3FA2]  }
0x30: {  	s3 =	sld [smem:$0x3FA5]  }
0x31: {  	[smem:$0x3FAE] =	sst s10  }
0x32: {  	s10 =	sld [smem:$0x3FAC];
	_ =	sdelay $0x3  }
0x33: {  	p0 =	seq.s32 s10, $0x1;
	s10 =	sld [smem:$0x3FAE];
	_ =	sdelay $0x3  }
0x34: {  	[smem:$0x3FAE] =	sst s10  }
0x35: {  	s10 =	sld [smem:$0x3FAD];
	_ =	sdelay $0x3  }
0x36: {  	p1 =	seq.s32 s10, $0x1;
	s10 =	sld [smem:$0x3FAE];
	_ =	sdelay $0x3  }
0x37: {  	[smem:$0x3FAE] =	sst s10  }
0x38: {  	s10 =	sld [smem:$0x3FAF]  }
0x39: {  	_ = 	snop;
	(pc) =	sbr.ind lr, $3  }
0x3a: {  	_ = 	snop  }
0x3b: {  	_ = 	snop  }
0x3c: {  	p2 =	seq.s32 s10, $0x1;
	s10 =	sld [smem:$0x3FAE]  }
0x3d: {  	_ =	shalt  }
0x3e: {  	_ =	shalt  }
0x3f: {  	_ =	shalt  }
0x40: {  	_ =	shalt  }
0x41: {  	_ =	shalt  }
0x42: {  	_ =	shalt  }
0x43: {  	_ =	shalt  }
0x44: {  	_ =	shalt  }
0x45: {  	_ =	shalt  }
0x46: {  	_ =	shalt  }
0x47: {  	_ =	shalt  }
0x48: {  	_ =	shalt  }
0x49: {  	_ =	shalt  }
0x4a: {  	_ =	shalt  }
0x4b: {  	_ =	shalt  }
0x4c: {  	_ =	shalt  }
0x4d: {  	_ =	shalt  }
0x4e: {  	_ =	shalt  }
0x4f: {  	_ =	shalt  }
0x50: {  	_ =	shalt  }
0x51: {  	_ =	shalt  }
0x52: {  	_ =	shalt  }
0x53: {  	_ =	shalt  }
0x54: {  	_ =	shalt  }
0x55: {  	_ =	shalt  }
0x56: {  	_ =	shalt  }
0x57: {  	_ =	shalt  }
0x58: {  	_ =	shalt  }
0x59: {  	_ =	shalt  }
0x5a: {  	_ =	shalt  }
0x5b: {  	_ =	shalt  }
0x5c: {  	_ =	shalt  }
0x5d: {  	_ =	shalt  }
0x5e: {  	_ =	shalt  }
0x5f: {  	_ =	shalt  }
0x60: {  	_ =	shalt  }
0x61: {  	_ =	shalt  }
0x62: {  	_ =	shalt  }
0x63: {  	_ =	shalt  }
0x64: {  	_ =	shalt  }
0x65: {  	_ =	shalt  }
0x66: {  	_ =	shalt  }
0x67: {  	_ =	shalt  }
0x68: {  	_ =	shalt  }
0x69: {  	_ =	shalt  }
0x6a: {  	_ =	shalt  }
0x6b: {  	_ =	shalt  }
0x6c: {  	_ =	shalt  }
0x6d: {  	_ =	shalt  }
0x6e: {  	_ =	shalt  }
0x6f: {  	_ =	shalt  }
0x70: {  	_ =	shalt  }
0x71: {  	_ =	shalt  }
0x72: {  	_ =	shalt  }
0x73: {  	_ =	shalt  }
0x74: {  	_ =	shalt  }
0x75: {  	_ =	shalt  }
0x76: {  	_ =	shalt  }
0x77: {  	_ =	shalt  }
0x78: {  	_ =	shalt  }
0x79: {  	_ =	shalt  }
0x7a: {  	_ =	shalt  }
0x7b: {  	_ =	shalt  }
0x7c: {  	_ =	shalt  }
0x7d: {  	_ =	shalt  }
0x7e: {  	_ =	shalt  }
0x7f: {  	_ =	shalt  }
0x80: {  	_ =	shalt  }
0x81: {  	_ =	shalt  }
0x82: {  	_ =	shalt  }
0x83: {  	_ =	shalt  }
0x84: {  	_ =	shalt  }
0x85: {  	_ =	shalt  }
0x86: {  	_ =	shalt  }
0x87: {  	_ =	shalt  }
.Lfunc_end0:
.L_simem_size_0:
called_computation_lowered:
.L_overlay_start_0:
0x88: {  	s2 =	sld [smem:$0x3FD9]  }
0x89: {  	s3 =	sld [smem:$0x3FFE];
	_ =	sdelay $0x1  }
0x8a: {  	s1 =	srdreg.scid  }
0x8b: {  	s0 =	sand.u32 $0x1, s1  }
0x8c: {  	s14 =	sshll.u32 s0, $0xA;
	s2 =	sadd.s32 s3, s2  }
0x8d: {  	s2 =	sadd.s32 s2, s14  }
0x8e: {  	[smem:$0x3FBA] =	sst s2  }
0x8f: {  	_ = 	snop  }
0x90: {  	s2 =	sld [smem:$0x3FD0];
	_ =	sdelay $0x2  }
0x91: {  	s15 =	simm.s32 $0xA;
	s4 =	simm.s32 $0x10  }
0x92: {  	[smem:s4], [sflag:s15] =	dma.local [hbm:s2], $0x1  }
0x93: {  	_ =	swait.eq [sflag:s15], $0x1  }
0x94: {  	[sflag:s15] =	ssyncset.done $0x0  }
0x95: {  	[sflag:s15] =	ssyncadd.s32 $0xFFFFFFFF  }
0x96: {  	s16 =	sld [smem:$0x10];
	(tm) =	ssettm $0x1  }
0x97: {  	s17 =	sld [smem:$0x3FFB];
	_ =	sdelay $0x3  }
0x98: {  	_ =	strace s17  }
0x99: {  	s3 =	sld [smem:$0x3FFC];
	_ =	sdelay $0x3  }
0x9a: {  	_ =	strace s3  }
0x9b: {  	s3 =	sld [smem:$0x3FFD];
	_ =	sdelay $0x3  }
0x9c: {  	_ =	strace s3  }
0x9d: {  	_ =	strace $0x8FFFFFFF  }
0x9e: {  	s18 =	sld [smem:$0x3FDB];
	_ =	sdelay $0x1  }
0x9f: {  	s19 =	simm.s32 $_scs_section_size  }
0xa0: {  	s5 =	simm.s32 $_size__tile_overlayer_lowered;
	s6 =	simm.s32 $_tile_overlayer_lowered  }
0xa1: {  	s22 =	simm.s32 $0x1BFF;
	s21 =	sshll.u32 s6, $0x1;
	s3 =	sadd.s32 s19, s18  }
0xa2: {  	s7 =	simm.s32 $0x0;
	s20 =	sshll.u32 s5, $0x1;
	s5 =	sadd.s32 s21, s3  }
0xa3: {  	[timem:s7], [sflag:s22] =	dma.local [hbm:s5], s20  }
0xa4: {  	_ =	swait.ge [sflag:s22], s20  }
0xa5: {  	s4 =	ssub.s32 $0x0, s20;
	[sflag:s22] =	ssyncset.done $0x0  }
0xa6: {  	[sflag:s22] =	ssyncadd.s32 s4;
	_ =	sdelay $0x1  }
0xa7: {  	s23 =	simm.s32 $0x1B8B  }
0xa8: {  	_ =	swait.ge [sflag:s23], $0x1  }
0xa9: {  	[sflag:s23] =	ssyncset.done $0x0  }
0xaa: {  	s25 =	simm.s32 $0x1B8E;
	s24 =	sld [smem:$0x3FFE];
	[sflag:s23] =	ssyncadd.s32 $0xFFFFFFFF  }
0xab: {  	s26 =	simm.s32 $execute0_lowered;
	[smem:$0x3FD2] =	sst s25  }
0xac: {  	s5 =	sshll.u32 s26, $0x1;
	_ =	strace $0x80000046;
	[dreg:$0x1] =	wrdreg $0xFFFFFFFF  }
0xad: {  	s28 =	simm.s32 $_size_execute0_lowered;
	s3 =	sadd.s32 s3, s5;
	[dreg:$0x0] =	wrdreg $0x0  }
0xae: {  	s5 =	sshll.u32 s28, $0x1;
	[dreg:$0x2] =	wrdreg s3  }
0xaf: {  	[dreg:$0x3] =	wrdreg s5  }
0xb0: {  	[dreg:$0x4] =	wrdreg $0xC0  }
0xb1: {  	_ =	task [dreg:s7], $0x5FFFF  }
0xb2: {  	[dreg:$0x1] =	wrdreg $0xFFFFFFFF  }
0xb3: {  	[dreg:$0x0] =	wrdreg $0x60  }
0xb4: {  	[dreg:$0x2] =	wrdreg s24  }
0xb5: {  	[dreg:$0x3] =	wrdreg s16  }
0xb6: {  	[dreg:$0x4] =	wrdreg $0x9  }
0xb7: {  	_ =	task.clear_ibuf [dreg:s7], $0x5FFFF;
	_ =	strace $0x90000046  }
0xb8: {  	s29 =	simm.s32 $0x9;
	_ =	strace $0x80000048  }
0xb9: {  	_ =	swait.ge [sflag:s29], $0x1  }
0xba: {  	[sflag:s29] =	ssyncadd.s32 $0xFFFFFFFF  }
0xbb: {  	_ =	strace $0x90000048  }
0xbc: {  	_ =	sfence  }
0xbd: {  	s30 =	sld [smem:$0x0];
	_ =	sdelay $0x2  }
0xbe: {  	s31 =	sshll.u32 s1, $0xD;
	s1 =	sshrl.u32 s1, $0x2  }
0xbf: {  	s3 =	sand.u32 $0x4000, s31;
	s1 =	sadd.s32 s1, s30  }
0xc0: {  	s0 =	sor.u32 s3, s0;
	s1 =	sshll.u32 s1, $0x11  }
0xc1: {  	s0 =	sor.u32 s1, s0  }
0xc2: {  	s0 =	sadd.s32 $0x8F2B, s0  }
0xc3: {  	[sflag:s0] =	ssyncadd.remote.s32 $0x1  }
0xc4: {  	_ =	sfence.sel $0xFFFF  }
0xc5: {  	[dreg:$0x0] =	wrdreg $0xFFFFFFFF;
	(pc) =	sbr.abs _section_cstart, $3  }
0xc6: {  	[dreg:$0x1] =	wrdreg $0xFFFFFFFF  }
0xc7: {  	_ =	task.clear_ibuf [dreg:s7], $0x2FFFF;
	_ =	strace $0x9FFFFFFF  }
0xc8: {  	(tm) =	ssettm $0x7FFFFFFF  }
0xc9: {  	_ =	shalt  }
tec
execute0_lowered:
.L_overlay_start_1:
0x0: {  	(tag) =	ssettag $0x1  }
0x1: {  	s1 =	srdreg.scid;
	s0 =	stileid.u32  }
0x2: {  	s18 =	sand.u32 $0x1, s1;
	s30 =	sshll.u32 s0, $0x1  }
0x3: {  	s12 =	sor.u32 s18, s30  }
0x4: {  	s9 =	rddreg [dreg:$0x0];
	s4 =	smul.u32 $0xC8, s12  }
0x5: {  	s2 =	rddreg [dreg:$0x1];
	s3 =	simm.s32 $0x0  }
0x6: {  	s5 =	simm.s32 $0x5;
	[smem:$0x7FF] =	sst s3;
	s4 =	sadd.s32 s4, s9  }
0x7: {  	s1 =	rddreg [dreg:$0x2];
	_ =	strace $0x80000047;
	s4 =	sadd.s32 $0x1E00, s4  }
0x8: {  	[tilespmem:s3], [sflag:$0x5] =	stream.linear.gather [hbm4b:s4+s3], $0x640, $0x38;
	[tilespmem:$0xCE40] =	vst v63  }
0x9: {  	_ =	swait.ge [sflag:s5], $0x640  }
0xa: {  	s6 =	simm.s32 $0x190;
	[sflag:s5] =	ssyncset.done $0x0  }
0xb: {  	s7 =	simm.s32 $0x640;
	s8 =	simm.s32 $0x1;
	[sflag:s5] =	ssyncadd.s32 $0xFFFFF9C0  }
0xc: {  	[tilespmem:s7], [sflag:$0x1] =	stream.indirect.gather [hbm4b:s2+s6], $0x40, s3, s6, $0xb8;
	[tilespmem:$0xCE40] =	vst v63  }
0xd: {  	_ =	swait.ge [sflag:s8], $0x6400  }
0xe: {  	s13 =	sadd.s32 $0x3800, s9;
	[sflag:s8] =	ssyncset.done $0x0  }
0xf: {  	s10 =	smul.u32 $0x3200, s12;
	s9 =	simm.s32 $0x6A40;
	[sflag:s8] =	ssyncadd.s32 $0xFFFF9C00  }
0x10: {  	[tilespmem:s9], [sflag:$0x2] =	stream.indirect.gather [hbm4b:s2+s6], $0x40, s6, s6, $0xb8;
	[tilespmem:$0xCE40] =	vst v63  }
0x11: {  	s11 =	simm.s32 $0x2;
	s10 =	sadd.s32 s13, s10  }
0x12: {  	[hbm4b:s10+s3] =	stream.linear.scatter [tilespmem:s7], [sflag:$0x3], $0x6400, $0x38;
	[tilespmem:$0xCE40] =	vst v63  }
0x13: {  	_ =	swait.ge [sflag:s11], $0x6400  }
0x14: {  	[sflag:s11] =	ssyncset.done $0x0  }
0x15: {  	s14 =	smul.u32 $0x19000, s12;
	s12 =	simm.s32 $0x3;
	[sflag:s11] =	ssyncadd.s32 $0xFFFF9C00  }
0x16: {  	_ =	swait.ge [sflag:s12], $0x6400  }
0x17: {  	s14 =	sshrl.u32 s14, $0x3;
	[sflag:s12] =	ssyncset.done $0x0  }
0x18: {  	s19 =	sadd.s32 s13, s14;
	s13 =	simm.s32 $0x320;
	[sflag:s12] =	ssyncadd.s32 $0xFFFF9C00  }
0x19: {  	[tilespmem:s7], [sflag:$0x1] =	stream.indirect.gather [hbm4b:s2+s6], $0x40, s13, s6, $0xb8;
	[tilespmem:$0xCE40] =	vst v63  }
0x1a: {  	s14 =	sadd.s32 $0xC80, s19  }
0x1b: {  	[hbm4b:s14+s3] =	stream.linear.scatter [tilespmem:s9], [sflag:$0x4], $0x6400, $0x38;
	[tilespmem:$0xCE40] =	vst v63  }
0x1c: {  	_ =	swait.ge [sflag:s8], $0x6400  }
0x1d: {  	[sflag:s8] =	ssyncset.done $0x0  }
0x1e: {  	s15 =	simm.s32 $0x4;
	[sflag:s8] =	ssyncadd.s32 $0xFFFF9C00  }
0x1f: {  	_ =	swait.ge [sflag:s15], $0x6400  }
0x20: {  	[sflag:s15] =	ssyncset.done $0x0  }
0x21: {  	s16 =	simm.s32 $0x4B0;
	s20 =	ssub.s32 $0x2, s18;
	[sflag:s15] =	ssyncadd.s32 $0xFFFF9C00  }
0x22: {  	[tilespmem:s9], [sflag:$0x2] =	stream.indirect.gather [hbm4b:s2+s6], $0x40, s16, s6, $0xb8;
	[tilespmem:$0xCE40] =	vst v63  }
0x23: {  	s31 =	sshrl.u32 s20, $0x1;
	s17 =	sadd.s32 $0x1900, s19  }
0x24: {  	[hbm4b:s17+s3] =	stream.linear.scatter [tilespmem:s7], [sflag:$0x3], $0x6400, $0x38;
	[tilespmem:$0xCE40] =	vst v63  }
0x25: {  	s18 =	sadd.s32 $0x2580, s19;
	s19 =	ssub.s32 s20, s31;
	_ =	swait.ge [sflag:s11], $0x6400  }
0x26: {  	s19 =	smax.u32 s19, $0x1;
	[sflag:s11] =	ssyncset.done $0x0  }
0x27: {  	p0 =	sne.s32 s19, $0x1;
	[sflag:s11] =	ssyncadd.s32 $0xFFFF9C00  }
0x28: {  	[hbm4b:s18+s3] =	stream.linear.scatter [tilespmem:s9], [sflag:$0x4], $0x6400, $0x38;
	[tilespmem:$0xCE40] =	vst v63  }
.Ltmp0:
0x29: {  	_ =	swait.ge [sflag:s12], $0x6400;
	(pc) =	sbr.rel @!p0 .LBB2_2-.Ltmp0, $4  }
0x2a: {  	[sflag:s12] =	ssyncset.done $0x0  }
0x2b: {  	[sflag:s12] =	ssyncadd.s32 $0xFFFF9C00  }
0x2c: {  	_ =	swait.ge [sflag:s15], $0x6400  }
0x2d: {  	s19 =	sadd.s32 $0xFFFFFFFF, s19;
	[sflag:s15] =	ssyncset.done $0x0  }
.LBB2_1:
0x2e: {  	p0 =	sne.s32 s19, $0x1;
	s19 =	sadd.s32 $0xFFFFFFFF, s19;
	[sflag:s15] =	ssyncadd.s32 $0xFFFF9C00  }
0x2f: {  	[tilespmem:s3], [sflag:$0x5] =	stream.linear.gather [hbm4b:s4+s3], $0x640, $0x38;
	[tilespmem:$0xCE40] =	vst v63  }
0x30: {  	_ =	swait.ge [sflag:s5], $0x640  }
0x31: {  	[sflag:s5] =	ssyncset.done $0x0  }
0x32: {  	[sflag:s5] =	ssyncadd.s32 $0xFFFFF9C0  }
0x33: {  	[tilespmem:s7], [sflag:$0x1] =	stream.indirect.gather [hbm4b:s2+s6], $0x40, s3, s6, $0xb8;
	[tilespmem:$0xCE40] =	vst v63  }
0x34: {  	_ =	swait.ge [sflag:s8], $0x6400  }
0x35: {  	[sflag:s8] =	ssyncset.done $0x0  }
0x36: {  	[sflag:s8] =	ssyncadd.s32 $0xFFFF9C00  }
0x37: {  	[tilespmem:s9], [sflag:$0x2] =	stream.indirect.gather [hbm4b:s2+s6], $0x40, s6, s6, $0xb8;
	[tilespmem:$0xCE40] =	vst v63  }
0x38: {  	_ = 	snop  }
0x39: {  	[hbm4b:s10+s3] =	stream.linear.scatter [tilespmem:s7], [sflag:$0x3], $0x6400, $0x38;
	[tilespmem:$0xCE40] =	vst v63  }
0x3a: {  	_ =	swait.ge [sflag:s11], $0x6400  }
0x3b: {  	[sflag:s11] =	ssyncset.done $0x0  }
0x3c: {  	[sflag:s11] =	ssyncadd.s32 $0xFFFF9C00  }
0x3d: {  	_ =	swait.ge [sflag:s12], $0x6400  }
0x3e: {  	[sflag:s12] =	ssyncset.done $0x0  }
0x3f: {  	[sflag:s12] =	ssyncadd.s32 $0xFFFF9C00  }
0x40: {  	[tilespmem:s7], [sflag:$0x1] =	stream.indirect.gather [hbm4b:s2+s6], $0x40, s13, s6, $0xb8;
	[tilespmem:$0xCE40] =	vst v63  }
0x41: {  	_ = 	snop  }
0x42: {  	[hbm4b:s14+s3] =	stream.linear.scatter [tilespmem:s9], [sflag:$0x4], $0x6400, $0x38;
	[tilespmem:$0xCE40] =	vst v63  }
0x43: {  	_ =	swait.ge [sflag:s8], $0x6400  }
0x44: {  	[sflag:s8] =	ssyncset.done $0x0  }
0x45: {  	[sflag:s8] =	ssyncadd.s32 $0xFFFF9C00  }
0x46: {  	_ =	swait.ge [sflag:s15], $0x6400  }
0x47: {  	[sflag:s15] =	ssyncset.done $0x0  }
0x48: {  	[sflag:s15] =	ssyncadd.s32 $0xFFFF9C00  }
0x49: {  	[tilespmem:s9], [sflag:$0x2] =	stream.indirect.gather [hbm4b:s2+s6], $0x40, s16, s6, $0xb8;
	[tilespmem:$0xCE40] =	vst v63  }
0x4a: {  	_ = 	snop  }
0x4b: {  	[hbm4b:s17+s3] =	stream.linear.scatter [tilespmem:s7], [sflag:$0x3], $0x6400, $0x38;
	[tilespmem:$0xCE40] =	vst v63  }
0x4c: {  	_ =	swait.ge [sflag:s11], $0x6400  }
0x4d: {  	[sflag:s11] =	ssyncset.done $0x0  }
0x4e: {  	[sflag:s11] =	ssyncadd.s32 $0xFFFF9C00  }
0x4f: {  	[hbm4b:s18+s3] =	stream.linear.scatter [tilespmem:s9], [sflag:$0x4], $0x6400, $0x38;
	[tilespmem:$0xCE40] =	vst v63  }
.Ltmp1:
0x50: {  	_ =	swait.ge [sflag:s12], $0x6400;
	(pc) =	sbr.rel @p0 .LBB2_1-.Ltmp1, $4  }
0x51: {  	[sflag:s12] =	ssyncset.done $0x0  }
0x52: {  	[sflag:s12] =	ssyncadd.s32 $0xFFFF9C00  }
0x53: {  	_ =	swait.ge [sflag:s15], $0x6400  }
0x54: {  	[sflag:s15] =	ssyncset.done $0x0  }
.LBB2_2:
0x55: {  	[sflag:s15] =	ssyncadd.s32 $0xFFFF9C00  }
0x56: {  	_ =	sfence.sel $0x180000  }
0x57: {  	[bflag:$0x0] =	sbarrier.arrive $0xFFFF  }
0x58: {  	p0 =	sne.s32 s0, $0x0;
	_ =	strace $0x90000047  }
0x59: {  	s0 =	sadd.s32 @!p0 $0x100000, s1;
	[bflag:$0x2] =	sbarrier.arrive $0xFFFF  }
0x5a: {  	[sflag:s0] =	ssyncadd.tile.s32 @!p0 $0x1;
	_ =	shalt  }
.Lfunc_end2:
_tile_overlayer_lowered:
.L_overlay_start_2:
0x5b: {  	(tag) =	ssettag $0x2  }
0x5c: {  	s0 =	rddreg [dreg:$0x0];
	s2 =	stileid.u32  }
0x5d: {  	s1 =	rddreg [dreg:$0x1];
	p0 =	sne.s32 s2, $0x0  }
0x5e: {  	s3 =	rddreg [dreg:$0x2];
	[bflag:$0x3] =	sbarrier.arrive $0xFFFF;
	s2 =	simm.s32 @!p0 $0x1C05  }
0x5f: {  	[timem:s3], [sflag:s2] =	dma.local @!p0 [hbm:s0], s1  }
0x60: {  	s0 =	simm.s32 @!p0 $0x5  }
0x61: {  	_ =	swait.ge @!p0 [sflag:s0], s1  }
0x62: {  	s1 =	ssub.s32 @!p0 $0x0, s1;
	[sflag:s0] =	ssyncset.done @!p0 $0x0  }
0x63: {  	[sflag:s0] =	ssyncadd.s32 @!p0 s1  }
0x64: {  	[bflag:$0x3] =	sbarrier.arrive $0xFFFF  }
0x65: {  	_ =	shalt  }

</sc_bundles>
